<compile_context>
chip_gen: v7x
topology: tpu7x:2x2x1
jax: 0.10.2.dev20260603
libtpu: 0.0.44.dev20260713+nightly
codegen_flags: <defaults>
</compile_context>

<pallas_src>
import functools

import jax
import jax.numpy as jnp
from jax import lax
from jax.experimental import pallas as pl
from jax.experimental.pallas import tpu as pltpu
from jax.experimental.pallas import tpu_sc as plsc

B, T, N, H = 4, 16, 10000, 64


def _copy_body(sp_ref, stack_ref, hid_ref, out_ref):
    b = pl.program_id(0)
    t = pl.program_id(1)
    tgt = sp_ref[b] + 1

    @pl.when(t == tgt)
    def _():
        out_ref[...] = hid_ref[...]

    @pl.when(t != tgt)
    def _():
        out_ref[...] = stack_ref[...]


def _ptr_body(sp_hbm, hint_hbm, out_hbm, sp_v, hint_v, res_v):
    cid = lax.axis_index("c")
    sid = lax.axis_index("s")

    @pl.when((cid == 0) & (sid == 0))
    def _():
        pltpu.sync_copy(sp_hbm.at[0], sp_v.at[pl.ds(0, B)])
        pltpu.sync_copy(hint_hbm.at[0], hint_v.at[pl.ds(0, 3 * B)])
        iota = lax.iota(jnp.int32, 16)
        idx = lax.bitwise_and(iota, jnp.full((16,), B - 1, jnp.int32))
        zero = jnp.zeros((16,), jnp.int32)
        one = jnp.full((16,), 1, jnp.int32)
        two = jnp.full((16,), 2, jnp.int32)
        base = idx * 3
        sp16 = sp_v[...]
        hv = hint_v[...]
        take = lambda x, i: x.at[i].get(mode='promise_in_bounds')
        spv = take(sp16, idx)
        a0 = take(hv, base)
        a1 = take(hv, base + one)
        a2 = take(hv, base + two)
        ops = jnp.where(a0 >= a1,
                        jnp.where(a0 >= a2, zero, two),
                        jnp.where(a1 >= a2, one, two))
        res_v[...] = jnp.maximum(spv + ops - one, zero)
        pltpu.sync_copy(res_v.at[pl.ds(0, B)], out_hbm.at[0])


@functools.partial(
    pl.kernel,
    out_type=jax.ShapeDtypeStruct((1, B), jnp.int32),
    mesh=plsc.VectorSubcoreMesh(core_axis_name="c", subcore_axis_name="s"),
    scratch_types=[
        pltpu.VMEM((16,), jnp.int32),
        pltpu.VMEM((16,), jnp.float32),
        pltpu.VMEM((16,), jnp.int32),
    ],
)
def _ptr_kernel(sp_hbm, hint_hbm, out_hbm, sp_v, hint_v, res_v):
    _ptr_body(sp_hbm, hint_hbm, out_hbm, sp_v, hint_v, res_v)


def kernel(stack, stack_pointers, hint_preds, hiddens, graph_fts):
    del graph_fts
    sp_flat = jnp.reshape(stack_pointers, (B,))
    stack_t = jnp.transpose(stack, (0, 1, 3, 2))
    hid_t = jnp.transpose(hiddens, (0, 1, 3, 2))

    def stack_idx(b, t, sp):
        tt = jnp.where(t == sp[b] + 1, t - 1, t)
        return (b, tt, 0, 0)

    grid_spec = pltpu.PrefetchScalarGridSpec(
        num_scalar_prefetch=1,
        grid=(B, T),
        in_specs=[
            pl.BlockSpec((1, 1, H, N), stack_idx),
            pl.BlockSpec((1, 1, H, N), lambda b, t, sp: (0, b, 0, 0)),
        ],
        out_specs=pl.BlockSpec((1, 1, H, N), lambda b, t, sp: (b, t, 0, 0)),
    )

    new_stack_t = pl.pallas_call(
        _copy_body,
        grid_spec=grid_spec,
        out_shape=jax.ShapeDtypeStruct((B, T, H, N), jnp.float32),
    )(sp_flat, stack_t, hid_t)

    new_ptrs = _ptr_kernel(stack_pointers, jnp.reshape(hint_preds, (1, 3 * B)))
    return (jnp.transpose(new_stack_t, (0, 1, 3, 2)), new_ptrs)

# --- scband reference (transcript-rebuilt; emitter-appended) ---
"""Pipeline reference for scband-node-level-callstack-module-68753836474756 (READ-ONLY COPY).

The authoritative reference and input builder live on the scoring server;
editing this copy changes nothing except your own understanding.
"""

import jax, jax.numpy as jnp
import numpy as np

NUM_HIDDENS_FOR_STACK = 64

def setup_inputs(seed: int = 0) -> dict:
    key = jax.random.key(seed)
    k1, k2, k3, k4, k5 = jax.random.split(key, 5)
    stack = jax.random.normal(k1, (4, 16, 10000, 64), dtype=jnp.float32)
    stack_pointers = jax.random.randint(k2, (1, 4), 0, 15, dtype=jnp.int32)
    hint_preds = jax.random.normal(k3, (1, 4, 3), dtype=jnp.float32)
    hiddens = jax.random.normal(k4, (1, 4, 10000, 64), dtype=jnp.float32)
    graph_fts = jax.random.normal(k5, (4, 128), dtype=jnp.float32)
    return {"stack": stack, "stack_pointers": stack_pointers, "hint_preds": hint_preds, "hiddens": hiddens, "graph_fts": graph_fts}

def reference(stack, stack_pointers, hint_preds, hiddens, graph_fts):
    # hint_preds here is the tensor that the module receives as hint_preds['stack_op'].
    # value_network == '' -> None, so hiddens is used directly.
    stack_ops = jnp.argmax(hint_preds, axis=-1)  # [1, B]
    new_stack_vals = hiddens[:, :, :, :NUM_HIDDENS_FOR_STACK]  # [1, B, N, H]
    flat = stack.reshape(-1, stack.shape[2], stack.shape[3])  # [B*T, N, H]
    idx = stack_pointers + 1 + stack.shape[1] * jnp.arange(stack.shape[0])  # [1, B]
    new_stack = flat.at[idx, :, :].set(new_stack_vals).reshape(stack.shape)
    new_pointers = jnp.maximum(stack_pointers + stack_ops - 1, 0)
    return (new_stack, new_pointers)

if __name__ == "__main__":
    import jax
    _d = setup_inputs()
    print(jax.jit(kernel)(*tuple(_d.values())))

</pallas_src>

<mosaic_0001>
#map = affine_map<(d0, d1) -> (0, 0)>
module attributes {stable_mosaic.version = 14 : i64} {
  func.func @_ptr_kernel(%arg0: i32, %arg1: i32, %arg2: memref<1x4xi32, #tpu.memory_space<hbm>>, %arg3: memref<1x12xf32, #tpu.memory_space<hbm>>, %arg4: memref<1x4xi32, #tpu.memory_space<hbm>>, %arg5: memref<16xi32, #tpu.memory_space<vmem>>, %arg6: memref<16xf32, #tpu.memory_space<vmem>>, %arg7: memref<16xi32, #tpu.memory_space<vmem>>) attributes {dimension_semantics = [#tpu.dimension_semantics<core_parallel>, #tpu.dimension_semantics<subcore_parallel>], iteration_bounds = array<i64: 2, 16>, scalar_prefetch = 0 : i64, scratch_operands = 3 : i64, tpu.core_type = #tpu.core_type<sc_vector_subcore>, window_params = [{transform_indices = #map}, {transform_indices = #map}, {transform_indices = #map}]} {
    %eq3A = arith.constant 0 : i32
    %eq3A_0 = arith.cmpi eq, %arg0, %eq3A : i32
    %eq3A_1 = arith.constant 0 : i32
    %eq3A_2 = arith.cmpi eq, %arg1, %eq3A_1 : i32
    %and3A = arith.andi %eq3A_0, %eq3A_2 : i1
    %convert_element_type3A = arith.extui %and3A : i1 to i32
    %cond3A = arith.constant 0 : i32
    %cond3A_3 = arith.cmpi ne, %convert_element_type3A, %cond3A : i32
    scf.if %cond3A_3 {
      %run_scoped3A = arith.constant 0 : i32
      "tpu.region"() ({
        %run_scoped3A_68 = tpu.sem_alloc : memref<!tpu.dma_semaphore, #tpu.memory_space<semaphore_mem>>
        %dma_start3A = arith.constant 0 : i32
        %dma_start3A_69 = tpu.memref_slice %arg5[%dma_start3A] : memref<16xi32, #tpu.memory_space<vmem>> -> memref<4xi32, #tpu.memory_space<vmem>>
        %dma_start3A_70 = arith.constant 0 : i32
        %dma_start3A_71 = tpu.memref_slice %arg2[%run_scoped3A, %dma_start3A_70] : memref<1x4xi32, #tpu.memory_space<hbm>> -> memref<1x4xi32, #tpu.memory_space<hbm>>
        %dma_start3A_72 = tpu.memref_squeeze %dma_start3A_71 : memref<1x4xi32, #tpu.memory_space<hbm>> -> memref<4xi32, #tpu.memory_space<hbm>>
        %dma_start3A_73 = arith.constant 0 : i32
        %dma_start3A_74 = tpu.memref_slice %arg5[%dma_start3A_73] : memref<16xi32, #tpu.memory_space<vmem>> -> memref<4xi32, #tpu.memory_space<vmem>>
        %dma_start3A_75 = arith.constant 0 : i32
        %dma_start3A_76 = tpu.memref_slice %arg2[%run_scoped3A, %dma_start3A_75] : memref<1x4xi32, #tpu.memory_space<hbm>> -> memref<1x4xi32, #tpu.memory_space<hbm>>
        %dma_start3A_77 = tpu.memref_squeeze %dma_start3A_76 : memref<1x4xi32, #tpu.memory_space<hbm>> -> memref<4xi32, #tpu.memory_space<hbm>>
        tpu.enqueue_dma source(%dma_start3A_77 : memref<4xi32, #tpu.memory_space<hbm>>) target(%dma_start3A_74 : memref<4xi32, #tpu.memory_space<vmem>>) target_semaphore(%run_scoped3A_68 : memref<!tpu.dma_semaphore, #tpu.memory_space<semaphore_mem>>)
        %dma_wait3A = arith.constant 0 : i32
        %dma_wait3A_78 = tpu.memref_slice %arg5[%dma_wait3A] : memref<16xi32, #tpu.memory_space<vmem>> -> memref<4xi32, #tpu.memory_space<vmem>>
        %dma_wait3A_79 = arith.constant 0 : i32
        %dma_wait3A_80 = tpu.memref_slice %arg2[%run_scoped3A, %dma_wait3A_79] : memref<1x4xi32, #tpu.memory_space<hbm>> -> memref<1x4xi32, #tpu.memory_space<hbm>>
        %dma_wait3A_81 = tpu.memref_squeeze %dma_wait3A_80 : memref<1x4xi32, #tpu.memory_space<hbm>> -> memref<4xi32, #tpu.memory_space<hbm>>
        %dma_wait3A_82 = arith.constant 0 : i32
        %dma_wait3A_83 = tpu.memref_slice %arg5[%dma_wait3A_82] : memref<16xi32, #tpu.memory_space<vmem>> -> memref<4xi32, #tpu.memory_space<vmem>>
        %dma_wait3A_84 = arith.constant 0 : i32
        %dma_wait3A_85 = tpu.memref_slice %arg2[%run_scoped3A, %dma_wait3A_84] : memref<1x4xi32, #tpu.memory_space<hbm>> -> memref<1x4xi32, #tpu.memory_space<hbm>>
        %dma_wait3A_86 = tpu.memref_squeeze %dma_wait3A_85 : memref<1x4xi32, #tpu.memory_space<hbm>> -> memref<4xi32, #tpu.memory_space<hbm>>
        tpu.wait_dma2 semaphore(%run_scoped3A_68 : memref<!tpu.dma_semaphore, #tpu.memory_space<semaphore_mem>>) src(%dma_wait3A_86 : memref<4xi32, #tpu.memory_space<hbm>>) dst(%dma_wait3A_83 : memref<4xi32, #tpu.memory_space<vmem>>)
        tpu.yield
      }) : () -> ()
      %run_scoped3A_4 = arith.constant 0 : i32
      "tpu.region"() ({
        %run_scoped3A_68 = tpu.sem_alloc : memref<!tpu.dma_semaphore, #tpu.memory_space<semaphore_mem>>
        %dma_start3A = arith.constant 0 : i32
        %dma_start3A_69 = tpu.memref_slice %arg6[%dma_start3A] : memref<16xf32, #tpu.memory_space<vmem>> -> memref<12xf32, #tpu.memory_space<vmem>>
        %dma_start3A_70 = arith.constant 0 : i32
        %dma_start3A_71 = tpu.memref_slice %arg3[%run_scoped3A_4, %dma_start3A_70] : memref<1x12xf32, #tpu.memory_space<hbm>> -> memref<1x12xf32, #tpu.memory_space<hbm>>
        %dma_start3A_72 = tpu.memref_squeeze %dma_start3A_71 : memref<1x12xf32, #tpu.memory_space<hbm>> -> memref<12xf32, #tpu.memory_space<hbm>>
        %dma_start3A_73 = arith.constant 0 : i32
        %dma_start3A_74 = tpu.memref_slice %arg6[%dma_start3A_73] : memref<16xf32, #tpu.memory_space<vmem>> -> memref<12xf32, #tpu.memory_space<vmem>>
        %dma_start3A_75 = arith.constant 0 : i32
        %dma_start3A_76 = tpu.memref_slice %arg3[%run_scoped3A_4, %dma_start3A_75] : memref<1x12xf32, #tpu.memory_space<hbm>> -> memref<1x12xf32, #tpu.memory_space<hbm>>
        %dma_start3A_77 = tpu.memref_squeeze %dma_start3A_76 : memref<1x12xf32, #tpu.memory_space<hbm>> -> memref<12xf32, #tpu.memory_space<hbm>>
        tpu.enqueue_dma source(%dma_start3A_77 : memref<12xf32, #tpu.memory_space<hbm>>) target(%dma_start3A_74 : memref<12xf32, #tpu.memory_space<vmem>>) target_semaphore(%run_scoped3A_68 : memref<!tpu.dma_semaphore, #tpu.memory_space<semaphore_mem>>)
        %dma_wait3A = arith.constant 0 : i32
        %dma_wait3A_78 = tpu.memref_slice %arg6[%dma_wait3A] : memref<16xf32, #tpu.memory_space<vmem>> -> memref<12xf32, #tpu.memory_space<vmem>>
        %dma_wait3A_79 = arith.constant 0 : i32
        %dma_wait3A_80 = tpu.memref_slice %arg3[%run_scoped3A_4, %dma_wait3A_79] : memref<1x12xf32, #tpu.memory_space<hbm>> -> memref<1x12xf32, #tpu.memory_space<hbm>>
        %dma_wait3A_81 = tpu.memref_squeeze %dma_wait3A_80 : memref<1x12xf32, #tpu.memory_space<hbm>> -> memref<12xf32, #tpu.memory_space<hbm>>
        %dma_wait3A_82 = arith.constant 0 : i32
        %dma_wait3A_83 = tpu.memref_slice %arg6[%dma_wait3A_82] : memref<16xf32, #tpu.memory_space<vmem>> -> memref<12xf32, #tpu.memory_space<vmem>>
        %dma_wait3A_84 = arith.constant 0 : i32
        %dma_wait3A_85 = tpu.memref_slice %arg3[%run_scoped3A_4, %dma_wait3A_84] : memref<1x12xf32, #tpu.memory_space<hbm>> -> memref<1x12xf32, #tpu.memory_space<hbm>>
        %dma_wait3A_86 = tpu.memref_squeeze %dma_wait3A_85 : memref<1x12xf32, #tpu.memory_space<hbm>> -> memref<12xf32, #tpu.memory_space<hbm>>
        tpu.wait_dma2 semaphore(%run_scoped3A_68 : memref<!tpu.dma_semaphore, #tpu.memory_space<semaphore_mem>>) src(%dma_wait3A_86 : memref<12xf32, #tpu.memory_space<hbm>>) dst(%dma_wait3A_83 : memref<12xf32, #tpu.memory_space<vmem>>)
        tpu.yield
      }) : () -> ()
      %iota3A = tpu.iota {dimensions = array<i32: 0>} : vector<16xi32>
      %broadcast_in_dim3A = arith.constant 3 : i32
      %broadcast_in_dim3A_5 = vector.broadcast %broadcast_in_dim3A : i32 to vector<16xi32>
      %and3A_6 = arith.andi %iota3A, %broadcast_in_dim3A_5 : vector<16xi32>
      %broadcast_in_dim3A_7 = arith.constant 0 : i32
      %broadcast_in_dim3A_8 = vector.broadcast %broadcast_in_dim3A_7 : i32 to vector<16xi32>
      %broadcast_in_dim3A_9 = arith.constant 1 : i32
      %broadcast_in_dim3A_10 = vector.broadcast %broadcast_in_dim3A_9 : i32 to vector<16xi32>
      %broadcast_in_dim3A_11 = arith.constant 2 : i32
      %broadcast_in_dim3A_12 = vector.broadcast %broadcast_in_dim3A_11 : i32 to vector<16xi32>
      %mul3A = arith.constant 3 : i32
      %mul3A_13 = vector.broadcast %mul3A : i32 to vector<16xi32>
      %mul3A_14 = arith.muli %and3A_6, %mul3A_13 : vector<16xi32>
      %get3A = arith.constant 0 : index
      %get3A_15 = tpu.vector_load %arg5[%get3A] {strides = array<i32>} : memref<16xi32, #tpu.memory_space<vmem>>, vector<16xi32>,
      %get3A_16 = vector.shape_cast %get3A_15 : vector<16xi32> to vector<16xi32>
      %get3A_17 = arith.constant 0 : index
      %get3A_18 = tpu.vector_load %arg6[%get3A_17] {strides = array<i32>} : memref<16xf32, #tpu.memory_space<vmem>>, vector<16xf32>,
      %get3A_19 = vector.shape_cast %get3A_18 : vector<16xf32> to vector<16xf32>
      %lt3A = arith.constant 0 : i32
      %lt3A_20 = vector.broadcast %lt3A : i32 to vector<16xi32>
      %lt3A_21 = arith.cmpi slt, %and3A_6, %lt3A_20 : vector<16xi32>
      %add3A = arith.constant 16 : i32
      %add3A_22 = vector.broadcast %add3A : i32 to vector<16xi32>
      %add3A_23 = arith.addi %and3A_6, %add3A_22 : vector<16xi32>
      %select_n3A = arith.select %lt3A_21, %add3A_23, %and3A_6 : vector<16xi1>, vector<16xi32>
      %broadcast_in_dim3A_24 = vector.shape_cast %select_n3A : vector<16xi32> to vector<16x1xi32>
      %gather3A = vector.shape_cast %broadcast_in_dim3A_24 : vector<16x1xi32> to vector<16xi32>
      %gather3A_25 = tpu.dynamic_gather %get3A_16[%gather3A] in [0] : vector<16xi32>, vector<16xi32> -> vector<16xi32>
      %lt3A_26 = arith.constant 0 : i32
      %lt3A_27 = vector.broadcast %lt3A_26 : i32 to vector<16xi32>
      %lt3A_28 = arith.cmpi slt, %mul3A_14, %lt3A_27 : vector<16xi32>
      %add3A_29 = arith.constant 16 : i32
      %add3A_30 = vector.broadcast %add3A_29 : i32 to vector<16xi32>
      %add3A_31 = arith.addi %mul3A_14, %add3A_30 : vector<16xi32>
      %select_n3A_32 = arith.select %lt3A_28, %add3A_31, %mul3A_14 : vector<16xi1>, vector<16xi32>
      %broadcast_in_dim3A_33 = vector.shape_cast %select_n3A_32 : vector<16xi32> to vector<16x1xi32>
      %gather3A_34 = vector.shape_cast %broadcast_in_dim3A_33 : vector<16x1xi32> to vector<16xi32>
      %gather3A_35 = tpu.dynamic_gather %get3A_19[%gather3A_34] in [0] : vector<16xf32>, vector<16xi32> -> vector<16xf32>
      %add3A_36 = arith.addi %mul3A_14, %broadcast_in_dim3A_10 : vector<16xi32>
      %lt3A_37 = arith.constant 0 : i32
      %lt3A_38 = vector.broadcast %lt3A_37 : i32 to vector<16xi32>
      %lt3A_39 = arith.cmpi slt, %add3A_36, %lt3A_38 : vector<16xi32>
      %add3A_40 = arith.constant 16 : i32
      %add3A_41 = vector.broadcast %add3A_40 : i32 to vector<16xi32>
      %add3A_42 = arith.addi %add3A_36, %add3A_41 : vector<16xi32>
      %select_n3A_43 = arith.select %lt3A_39, %add3A_42, %add3A_36 : vector<16xi1>, vector<16xi32>
      %broadcast_in_dim3A_44 = vector.shape_cast %select_n3A_43 : vector<16xi32> to vector<16x1xi32>
      %gather3A_45 = vector.shape_cast %broadcast_in_dim3A_44 : vector<16x1xi32> to vector<16xi32>
      %gather3A_46 = tpu.dynamic_gather %get3A_19[%gather3A_45] in [0] : vector<16xf32>, vector<16xi32> -> vector<16xf32>
      %add3A_47 = arith.addi %mul3A_14, %broadcast_in_dim3A_12 : vector<16xi32>
      %lt3A_48 = arith.constant 0 : i32
      %lt3A_49 = vector.broadcast %lt3A_48 : i32 to vector<16xi32>
      %lt3A_50 = arith.cmpi slt, %add3A_47, %lt3A_49 : vector<16xi32>
      %add3A_51 = arith.constant 16 : i32
      %add3A_52 = vector.broadcast %add3A_51 : i32 to vector<16xi32>
      %add3A_53 = arith.addi %add3A_47, %add3A_52 : vector<16xi32>
      %select_n3A_54 = arith.select %lt3A_50, %add3A_53, %add3A_47 : vector<16xi1>, vector<16xi32>
      %broadcast_in_dim3A_55 = vector.shape_cast %select_n3A_54 : vector<16xi32> to vector<16x1xi32>
      %gather3A_56 = vector.shape_cast %broadcast_in_dim3A_55 : vector<16x1xi32> to vector<16xi32>
      %gather3A_57 = tpu.dynamic_gather %get3A_19[%gather3A_56] in [0] : vector<16xf32>, vector<16xi32> -> vector<16xf32>
      %ge3A = arith.cmpf oge, %gather3A_35, %gather3A_46 : vector<16xf32>
      %ge3A_58 = arith.cmpf oge, %gather3A_35, %gather3A_57 : vector<16xf32>
      %select_n3A_59 = arith.select %ge3A_58, %broadcast_in_dim3A_8, %broadcast_in_dim3A_12 : vector<16xi1>, vector<16xi32>
      %ge3A_60 = arith.cmpf oge, %gather3A_46, %gather3A_57 : vector<16xf32>
      %select_n3A_61 = arith.select %ge3A_60, %broadcast_in_dim3A_10, %broadcast_in_dim3A_12 : vector<16xi1>, vector<16xi32>
      %select_n3A_62 = arith.select %ge3A, %select_n3A_59, %select_n3A_61 : vector<16xi1>, vector<16xi32>
      %add3A_63 = arith.addi %gather3A_25, %select_n3A_62 : vector<16xi32>
      %sub3A = arith.subi %add3A_63, %broadcast_in_dim3A_10 : vector<16xi32>
      %max3A = arith.maxsi %sub3A, %broadcast_in_dim3A_8 : vector<16xi32>
      %swap3A = arith.constant 0 : index
      %swap3A_64 = tpu.vector_load %arg7[%swap3A] {strides = array<i32>} : memref<16xi32, #tpu.memory_space<vmem>>, vector<16xi32>,
      %swap3A_65 = vector.shape_cast %swap3A_64 : vector<16xi32> to vector<16xi32>
      %swap3A_66 = vector.shape_cast %max3A : vector<16xi32> to vector<16xi32>
      tpu.vector_store %arg7[%swap3A], %swap3A_66 {strides = array<i32>} : memref<16xi32, #tpu.memory_space<vmem>>, vector<16xi32>,
      %run_scoped3A_67 = arith.constant 0 : i32
      "tpu.region"() ({
        %run_scoped3A_68 = tpu.sem_alloc : memref<!tpu.dma_semaphore, #tpu.memory_space<semaphore_mem>>
        %dma_start3A = arith.constant 0 : i32
        %dma_start3A_69 = tpu.memref_slice %arg7[%dma_start3A] : memref<16xi32, #tpu.memory_space<vmem>> -> memref<4xi32, #tpu.memory_space<vmem>>
        %dma_start3A_70 = arith.constant 0 : i32
        %dma_start3A_71 = tpu.memref_slice %arg4[%run_scoped3A_67, %dma_start3A_70] : memref<1x4xi32, #tpu.memory_space<hbm>> -> memref<1x4xi32, #tpu.memory_space<hbm>>
        %dma_start3A_72 = tpu.memref_squeeze %dma_start3A_71 : memref<1x4xi32, #tpu.memory_space<hbm>> -> memref<4xi32, #tpu.memory_space<hbm>>
        %dma_start3A_73 = arith.constant 0 : i32
        %dma_start3A_74 = tpu.memref_slice %arg4[%run_scoped3A_67, %dma_start3A_73] : memref<1x4xi32, #tpu.memory_space<hbm>> -> memref<1x4xi32, #tpu.memory_space<hbm>>
        %dma_start3A_75 = tpu.memref_squeeze %dma_start3A_74 : memref<1x4xi32, #tpu.memory_space<hbm>> -> memref<4xi32, #tpu.memory_space<hbm>>
        %dma_start3A_76 = arith.constant 0 : i32
        %dma_start3A_77 = tpu.memref_slice %arg7[%dma_start3A_76] : memref<16xi32, #tpu.memory_space<vmem>> -> memref<4xi32, #tpu.memory_space<vmem>>
        tpu.enqueue_dma source(%dma_start3A_77 : memref<4xi32, #tpu.memory_space<vmem>>) target(%dma_start3A_75 : memref<4xi32, #tpu.memory_space<hbm>>) target_semaphore(%run_scoped3A_68 : memref<!tpu.dma_semaphore, #tpu.memory_space<semaphore_mem>>)
        %dma_wait3A = arith.constant 0 : i32
        %dma_wait3A_78 = tpu.memref_slice %arg7[%dma_wait3A] : memref<16xi32, #tpu.memory_space<vmem>> -> memref<4xi32, #tpu.memory_space<vmem>>
        %dma_wait3A_79 = arith.constant 0 : i32
        %dma_wait3A_80 = tpu.memref_slice %arg4[%run_scoped3A_67, %dma_wait3A_79] : memref<1x4xi32, #tpu.memory_space<hbm>> -> memref<1x4xi32, #tpu.memory_space<hbm>>
        %dma_wait3A_81 = tpu.memref_squeeze %dma_wait3A_80 : memref<1x4xi32, #tpu.memory_space<hbm>> -> memref<4xi32, #tpu.memory_space<hbm>>
        %dma_wait3A_82 = arith.constant 0 : i32
        %dma_wait3A_83 = tpu.memref_slice %arg4[%run_scoped3A_67, %dma_wait3A_82] : memref<1x4xi32, #tpu.memory_space<hbm>> -> memref<1x4xi32, #tpu.memory_space<hbm>>
        %dma_wait3A_84 = tpu.memref_squeeze %dma_wait3A_83 : memref<1x4xi32, #tpu.memory_space<hbm>> -> memref<4xi32, #tpu.memory_space<hbm>>
        %dma_wait3A_85 = arith.constant 0 : i32
        %dma_wait3A_86 = tpu.memref_slice %arg7[%dma_wait3A_85] : memref<16xi32, #tpu.memory_space<vmem>> -> memref<4xi32, #tpu.memory_space<vmem>>
        tpu.wait_dma2 semaphore(%run_scoped3A_68 : memref<!tpu.dma_semaphore, #tpu.memory_space<semaphore_mem>>) src(%dma_wait3A_86 : memref<4xi32, #tpu.memory_space<vmem>>) dst(%dma_wait3A_84 : memref<4xi32, #tpu.memory_space<hbm>>)
        tpu.yield
      }) : () -> ()
    } else {
    }
    return
  }
}

module attributes {stable_mosaic.version = 14 : i64} {
  func.func @_copy_body(%arg0: i32, %arg1: i32, %arg2: memref<4xi32, #tpu.memory_space<smem>>, %arg3: memref<1x1x64x10000xf32, #tpu.memory_space<vmem>>, %arg4: memref<1x1x64x10000xf32, #tpu.memory_space<vmem>>, %arg5: memref<1x1x64x10000xf32, #tpu.memory_space<vmem>>) attributes {dimension_semantics = [#tpu.dimension_semantics<arbitrary>, #tpu.dimension_semantics<arbitrary>], iteration_bounds = array<i64: 4, 16>, scalar_prefetch = 1 : i64, scratch_operands = 0 : i64, tpu.core_type = #tpu.core_type<tc>, window_params = [{transform_indices = @transform_0, window_bounds = array<i64: 1, 1, 64, 10000>}, {transform_indices = @transform_1, window_bounds = array<i64: 1, 1, 64, 10000>}, {transform_indices = @transform_2, window_bounds = array<i64: 1, 1, 64, 10000>}]} {
    %get3A = arith.index_cast %arg0 : i32 to index
    %get3A_0 = memref.load %arg2[%get3A] : memref<4xi32, #tpu.memory_space<smem>>
    %add3A = arith.constant 1 : i32
    %add3A_1 = arith.addi %get3A_0, %add3A : i32
    %eq3A = arith.cmpi eq, %arg1, %add3A_1 : i32
    %convert_element_type3A = arith.extui %eq3A : i1 to i32
    %cond3A = arith.constant 0 : i32
    %cond3A_2 = arith.cmpi ne, %convert_element_type3A, %cond3A : i32
    scf.if %cond3A_2 {
      %get3A_6 = arith.constant 0 : index
      %get3A_7 = arith.constant 0 : index
      %get3A_8 = arith.constant 0 : index
      %get3A_9 = arith.constant 0 : index
      %get3A_10 = vector.load %arg4[%get3A_6, %get3A_7, %get3A_8, %get3A_9] : memref<1x1x64x10000xf32, #tpu.memory_space<vmem>>, vector<1x1x64x10000xf32>
      %swap3A = arith.constant 0 : index
      %swap3A_11 = arith.constant 0 : index
      %swap3A_12 = arith.constant 0 : index
      %swap3A_13 = arith.constant 0 : index
      %swap3A_14 = vector.load %arg5[%swap3A, %swap3A_11, %swap3A_12, %swap3A_13] : memref<1x1x64x10000xf32, #tpu.memory_space<vmem>>, vector<1x1x64x10000xf32>
      tpu.vector_store %arg5[%swap3A, %swap3A_11, %swap3A_12, %swap3A_13], %get3A_10 {strides = array<i32>} : memref<1x1x64x10000xf32, #tpu.memory_space<vmem>>, vector<1x1x64x10000xf32>,
    } else {
    }
    %ne3A = arith.cmpi ne, %arg1, %add3A_1 : i32
    %convert_element_type3A_3 = arith.extui %ne3A : i1 to i32
    %cond3A_4 = arith.constant 0 : i32
    %cond3A_5 = arith.cmpi ne, %convert_element_type3A_3, %cond3A_4 : i32
    scf.if %cond3A_5 {
      %get3A_6 = arith.constant 0 : index
      %get3A_7 = arith.constant 0 : index
      %get3A_8 = arith.constant 0 : index
      %get3A_9 = arith.constant 0 : index
      %get3A_10 = vector.load %arg3[%get3A_6, %get3A_7, %get3A_8, %get3A_9] : memref<1x1x64x10000xf32, #tpu.memory_space<vmem>>, vector<1x1x64x10000xf32>
      %swap3A = arith.constant 0 : index
      %swap3A_11 = arith.constant 0 : index
      %swap3A_12 = arith.constant 0 : index
      %swap3A_13 = arith.constant 0 : index
      %swap3A_14 = vector.load %arg5[%swap3A, %swap3A_11, %swap3A_12, %swap3A_13] : memref<1x1x64x10000xf32, #tpu.memory_space<vmem>>, vector<1x1x64x10000xf32>
      tpu.vector_store %arg5[%swap3A, %swap3A_11, %swap3A_12, %swap3A_13], %get3A_10 {strides = array<i32>} : memref<1x1x64x10000xf32, #tpu.memory_space<vmem>>, vector<1x1x64x10000xf32>,
    } else {
    }
    return
  }
  func.func @transform_0(%arg0: i32, %arg1: i32, %arg2: memref<4xi32, #tpu.memory_space<smem>>) -> (i32, i32, i32, i32) {
    %get3A = arith.index_cast %arg0 : i32 to index
    %get3A_0 = memref.load %arg2[%get3A] : memref<4xi32, #tpu.memory_space<smem>>
    %add3A = arith.constant 1 : i32
    %add3A_1 = arith.addi %get3A_0, %add3A : i32
    %eq3A = arith.cmpi eq, %arg1, %add3A_1 : i32
    %sub3A = arith.constant 1 : i32
    %sub3A_2 = arith.subi %arg1, %sub3A : i32
    %select_n3A = arith.select %eq3A, %sub3A_2, %arg1 : i32
    %c0_i32 = arith.constant 0 : i32
    %c0_i32_3 = arith.constant 0 : i32
    %c0_i32_4 = arith.constant 0 : i32
    return %arg0, %select_n3A, %c0_i32, %c0_i32_3 : i32, i32, i32, i32
  }
  func.func @transform_1(%arg0: i32, %arg1: i32, %arg2: memref<4xi32, #tpu.memory_space<smem>>) -> (i32, i32, i32, i32) {
    %c0_i32 = arith.constant 0 : i32
    %c0_i32_0 = arith.constant 0 : i32
    %c0_i32_1 = arith.constant 0 : i32
    %c0_i32_2 = arith.constant 0 : i32
    return %c0_i32, %arg0, %c0_i32_0, %c0_i32_1 : i32, i32, i32, i32
  }
  func.func @transform_2(%arg0: i32, %arg1: i32, %arg2: memref<4xi32, #tpu.memory_space<smem>>) -> (i32, i32, i32, i32) {
    %c0_i32 = arith.constant 0 : i32
    %c0_i32_0 = arith.constant 0 : i32
    %c0_i32_1 = arith.constant 0 : i32
    return %arg0, %arg1, %c0_i32, %c0_i32_0 : i32, i32, i32, i32
  }
}

</mosaic_0001>

<sc_bundles>
// kernel: kernel.4.cloned.1.call-start
scs
__scs_entry_jumppad:
0x0: {  	(pc) =	sbr.rel $0x88, $3  }
0x1: {  	(tag) =	ssettag $0x0;
	lr =	simm.s32 $0x1  }
0x2: {  	[smem:$0x3F9D] =	sst lr;
	_ =	strace $0xD0000000  }
0x3: {  	_ = 	snop  }
0x4: {  	_ = 	snop  }
0x5: {  	_ = 	snop  }
0x6: {  	_ = 	snop  }
0x7: {  	_ = 	snop  }
__scs_overlays_trampoline_lowered:
0x8: {  	[smem:$0x3FAC] =	sst s0  }
0x9: {  	[smem:$0x3FAD] =	sst s1  }
0xa: {  	[smem:$0x3FAE] =	sst s2  }
0xb: {  	[smem:$0x3FAF] =	sst s3  }
0xc: {  	[smem:$0x3FB0] =	sst s4  }
0xd: {  	[smem:$0x3FB1] =	sst s5  }
0xe: {  	[smem:$0x3FB2] =	sst s6  }
0xf: {  	[smem:$0x3FB3] =	sst s7  }
0x10: {  	[smem:$0x3FB4] =	sst s8  }
0x11: {  	[smem:$0x3FB5] =	sst s9;
	s0 =	simm.s32 @!p0 $0x0  }
0x12: {  	s1 =	sld [smem:$0x3F9B];
	s0 =	simm.s32 @p0 $0x1  }
0x13: {  	[smem:$0x3FB6] =	sst s0;
	s0 =	simm.s32 @!p1 $0x0  }
0x14: {  	s2 =	sld [smem:$0x3F9A];
	s0 =	simm.s32 @p1 $0x1  }
0x15: {  	[smem:$0x3FB7] =	sst s0;
	s0 =	simm.s32 @!p2 $0x0  }
0x16: {  	s3 =	sld [smem:$0x3FDB];
	s0 =	simm.s32 @p2 $0x1  }
0x17: {  	s4 =	simm.s32 $0x1BF5;
	[smem:$0x3FB9] =	sst s0  }
0x18: {  	s0 =	sld [smem:$0x3F9C];
	_ =	swait.ge [sflag:s4], $0x0  }
0x19: {  	s7 =	sld [smem:$0x3F9D]  }
0x1a: {  	s8 =	sadd.s32 $0xFFFFE003, lr  }
0x1b: {  	s9 =	sadd.s32 $0xFFFFFEF7, lr;
	s5 =	simm.s32 $0xFFFFFFFF;
	p2 =	slt.u32 s8, $0xFFFFF086  }
0x1c: {  	p1 =	slt.u32 s9, $0xF7A;
	s5 =	simm.s32 @!p2 $0x0  }
0x1d: {  	s5 =	simm.s32 @p1 $0x1;
	p0 =	seq.s32 s7, s2  }
0x1e: {  	s7 =	smul.u32 @!p0 $0xF7A, s2;
	p2 =	seq.s32 @!p0 s5, $0x0  }
0x1f: {  	s9 =	smul.u32 $0xF7A, s1;
	s8 =	simm.s32 @!p0 $0x1BF5;
	p2 =	por !p2, p0  }
0x20: {  	[sflag:s8] =	ssyncset.s32 @!p0 $0xFFFFF086;
	s6 =	sadd.s32 @!p0 s3, s7;
	s7 =	simm.s32 @!p0 $0x108  }
0x21: {  	s3 =	sadd.s32 s3, s9;
	s6 =	sadd.s32 @!p0 $0x88, s6;
	s7 =	simm.s32 @p2 $0x1082  }
0x22: {  	[simem:s7], [sflag:s8] =	dma.local @!p0 [hbm:s6], $0xF7A  }
0x23: {  	s9 =	sor.u32 $0xD0000000, s2;
	s6 =	simm.s32 $0x108;
	_ =	swait.ge @!p0 [sflag:s8], $0x0  }
0x24: {  	s3 =	sadd.s32 $0x88, s3;
	s6 =	simm.s32 @!p1 $0x1082;
	[sflag:s4] =	ssyncset.s32 $0xFFFFF086  }
0x25: {  	[simem:s6], [sflag:s4] =	dma.local [hbm:s3], $0xF7A  }
0x26: {  	[smem:$0x3F9D] =	sst s1;
	(tag) =	ssettag s2;
	_ =	strace s9  }
0x27: {  	s1 =	sld [smem:$0x3FAD]  }
0x28: {  	s2 =	sld [smem:$0x3FAE]  }
0x29: {  	s4 =	sld [smem:$0x3FB0]  }
0x2a: {  	p0 =	seq.s32 s5, $0x0;
	s5 =	sld [smem:$0x3FB1]  }
0x2b: {  	s6 =	sld [smem:$0x3FB2]  }
0x2c: {  	s7 =	sld [smem:$0x3FB3]  }
0x2d: {  	s3 =	simm.s32 $0x108;
	s8 =	sld [smem:$0x3FB4]  }
0x2e: {  	s3 =	simm.s32 @!p0 $0x1082;
	s9 =	sld [smem:$0x3FB5]  }
0x2f: {  	lr =	sadd.s32 s0, s3;
	s0 =	sld [smem:$0x3FAC]  }
0x30: {  	s3 =	sld [smem:$0x3FAF]  }
0x31: {  	[smem:$0x3FB8] =	sst s10  }
0x32: {  	s10 =	sld [smem:$0x3FB6];
	_ =	sdelay $0x3  }
0x33: {  	p0 =	seq.s32 s10, $0x1;
	s10 =	sld [smem:$0x3FB8];
	_ =	sdelay $0x3  }
0x34: {  	[smem:$0x3FB8] =	sst s10  }
0x35: {  	s10 =	sld [smem:$0x3FB7];
	_ =	sdelay $0x3  }
0x36: {  	p1 =	seq.s32 s10, $0x1;
	s10 =	sld [smem:$0x3FB8];
	_ =	sdelay $0x3  }
0x37: {  	[smem:$0x3FB8] =	sst s10  }
0x38: {  	s10 =	sld [smem:$0x3FB9]  }
0x39: {  	_ = 	snop;
	(pc) =	sbr.ind lr, $3  }
0x3a: {  	_ = 	snop  }
0x3b: {  	_ = 	snop  }
0x3c: {  	p2 =	seq.s32 s10, $0x1;
	s10 =	sld [smem:$0x3FB8]  }
0x3d: {  	_ =	shalt  }
0x3e: {  	_ =	shalt  }
0x3f: {  	_ =	shalt  }
0x40: {  	_ =	shalt  }
0x41: {  	_ =	shalt  }
0x42: {  	_ =	shalt  }
0x43: {  	_ =	shalt  }
0x44: {  	_ =	shalt  }
0x45: {  	_ =	shalt  }
0x46: {  	_ =	shalt  }
0x47: {  	_ =	shalt  }
0x48: {  	_ =	shalt  }
0x49: {  	_ =	shalt  }
0x4a: {  	_ =	shalt  }
0x4b: {  	_ =	shalt  }
0x4c: {  	_ =	shalt  }
0x4d: {  	_ =	shalt  }
0x4e: {  	_ =	shalt  }
0x4f: {  	_ =	shalt  }
0x50: {  	_ =	shalt  }
0x51: {  	_ =	shalt  }
0x52: {  	_ =	shalt  }
0x53: {  	_ =	shalt  }
0x54: {  	_ =	shalt  }
0x55: {  	_ =	shalt  }
0x56: {  	_ =	shalt  }
0x57: {  	_ =	shalt  }
0x58: {  	_ =	shalt  }
0x59: {  	_ =	shalt  }
0x5a: {  	_ =	shalt  }
0x5b: {  	_ =	shalt  }
0x5c: {  	_ =	shalt  }
0x5d: {  	_ =	shalt  }
0x5e: {  	_ =	shalt  }
0x5f: {  	_ =	shalt  }
0x60: {  	_ =	shalt  }
0x61: {  	_ =	shalt  }
0x62: {  	_ =	shalt  }
0x63: {  	_ =	shalt  }
0x64: {  	_ =	shalt  }
0x65: {  	_ =	shalt  }
0x66: {  	_ =	shalt  }
0x67: {  	_ =	shalt  }
0x68: {  	_ =	shalt  }
0x69: {  	_ =	shalt  }
0x6a: {  	_ =	shalt  }
0x6b: {  	_ =	shalt  }
0x6c: {  	_ =	shalt  }
0x6d: {  	_ =	shalt  }
0x6e: {  	_ =	shalt  }
0x6f: {  	_ =	shalt  }
0x70: {  	_ =	shalt  }
0x71: {  	_ =	shalt  }
0x72: {  	_ =	shalt  }
0x73: {  	_ =	shalt  }
0x74: {  	_ =	shalt  }
0x75: {  	_ =	shalt  }
0x76: {  	_ =	shalt  }
0x77: {  	_ =	shalt  }
0x78: {  	_ =	shalt  }
0x79: {  	_ =	shalt  }
0x7a: {  	_ =	shalt  }
0x7b: {  	_ =	shalt  }
0x7c: {  	_ =	shalt  }
0x7d: {  	_ =	shalt  }
0x7e: {  	_ =	shalt  }
0x7f: {  	_ =	shalt  }
0x80: {  	_ =	shalt  }
0x81: {  	_ =	shalt  }
0x82: {  	_ =	shalt  }
0x83: {  	_ =	shalt  }
0x84: {  	_ =	shalt  }
0x85: {  	_ =	shalt  }
0x86: {  	_ =	shalt  }
0x87: {  	_ =	shalt  }
.Lfunc_end0:
.L_simem_size_0:
called_computation_lowered:
.L_overlay_start_0:
0x88: {  	s2 =	sld [smem:$0x3FD9]  }
0x89: {  	s3 =	sld [smem:$0x3FFE];
	_ =	sdelay $0x1  }
0x8a: {  	s1 =	srdreg.scid  }
0x8b: {  	s0 =	sand.u32 $0x1, s1  }
0x8c: {  	s14 =	sshll.u32 s0, $0xA;
	s2 =	sadd.s32 s3, s2  }
0x8d: {  	s2 =	sadd.s32 s2, s14  }
0x8e: {  	[smem:$0x3FC4] =	sst s2  }
0x8f: {  	_ = 	snop  }
0x90: {  	s2 =	sld [smem:$0x3FD0];
	_ =	sdelay $0x2  }
0x91: {  	s4 =	simm.s32 $0xA;
	s5 =	simm.s32 $0x10;
	s15 =	sld [smem:$0x3FC8]  }
0x92: {  	[smem:s5], [sflag:s4] =	dma.local [hbm:s2], $0x1  }
0x93: {  	_ =	swait.eq [sflag:s4], $0x1  }
0x94: {  	[sflag:s4] =	ssyncset.done $0x0  }
0x95: {  	[sflag:s4] =	ssyncadd.s32 $0xFFFFFFFF  }
0x96: {  	s16 =	sld [smem:$0x11];
	(tm) =	ssettm $0x1  }
0x97: {  	s17 =	sld [smem:$0x3FFB];
	_ =	sdelay $0x3  }
0x98: {  	_ =	strace s17  }
0x99: {  	s4 =	sld [smem:$0x3FFC];
	_ =	sdelay $0x3  }
0x9a: {  	_ =	strace s4  }
0x9b: {  	s4 =	sld [smem:$0x3FFD];
	_ =	sdelay $0x3  }
0x9c: {  	_ =	strace s4  }
0x9d: {  	_ =	strace $0x8FFFFFFF  }
0x9e: {  	s18 =	sld [smem:$0x3FDB];
	_ =	sdelay $0x1  }
0x9f: {  	s19 =	simm.s32 $_scs_section_size  }
0xa0: {  	s6 =	simm.s32 $_size__tile_overlayer_lowered;
	s7 =	simm.s32 $_tile_overlayer_lowered  }
0xa1: {  	s22 =	simm.s32 $0x1BFF;
	s21 =	sshll.u32 s7, $0x1;
	s4 =	sadd.s32 s19, s18  }
0xa2: {  	s8 =	simm.s32 $0x0;
	s20 =	sshll.u32 s6, $0x1;
	s6 =	sadd.s32 s21, s4  }
0xa3: {  	[timem:s8], [sflag:s22] =	dma.local [hbm:s6], s20  }
0xa4: {  	_ =	swait.ge [sflag:s22], s20  }
0xa5: {  	s5 =	ssub.s32 $0x0, s20;
	[sflag:s22] =	ssyncset.done $0x0  }
0xa6: {  	[sflag:s22] =	ssyncadd.s32 s5;
	_ =	sdelay $0x1  }
0xa7: {  	s23 =	simm.s32 $0x1B8B  }
0xa8: {  	_ =	swait.ge [sflag:s23], $0x1  }
0xa9: {  	[sflag:s23] =	ssyncset.done $0x0  }
0xaa: {  	s25 =	simm.s32 $0x1B8E;
	s24 =	sld [smem:$0x3FFE];
	[sflag:s23] =	ssyncadd.s32 $0xFFFFFFFF  }
0xab: {  	s26 =	simm.s32 $execute0_lowered;
	[smem:$0x3FD2] =	sst s25  }
0xac: {  	s6 =	sshll.u32 s26, $0x1;
	_ =	strace $0x80000046;
	[dreg:$0x1] =	wrdreg $0xFFFFFFFF  }
0xad: {  	s28 =	simm.s32 $_size_execute0_lowered;
	s4 =	sadd.s32 s4, s6;
	[dreg:$0x0] =	wrdreg $0x0  }
0xae: {  	s6 =	sshll.u32 s28, $0x1;
	[dreg:$0x2] =	wrdreg s4  }
0xaf: {  	[dreg:$0x3] =	wrdreg s6  }
0xb0: {  	[dreg:$0x4] =	wrdreg $0xC0  }
0xb1: {  	_ =	task [dreg:s8], $0x5FFFF  }
0xb2: {  	[dreg:$0x1] =	wrdreg $0xFFFFFFFF  }
0xb3: {  	[dreg:$0x0] =	wrdreg $0x60  }
0xb4: {  	[dreg:$0x2] =	wrdreg s15  }
0xb5: {  	[dreg:$0x3] =	wrdreg s24  }
0xb6: {  	[dreg:$0x4] =	wrdreg s16  }
0xb7: {  	[dreg:$0x5] =	wrdreg $0x9  }
0xb8: {  	_ =	task.clear_ibuf [dreg:s8], $0x6FFFF;
	_ =	strace $0x90000046  }
0xb9: {  	s29 =	simm.s32 $0x9;
	_ =	strace $0x80000048  }
0xba: {  	_ =	swait.ge [sflag:s29], $0x1  }
0xbb: {  	[sflag:s29] =	ssyncadd.s32 $0xFFFFFFFF  }
0xbc: {  	_ =	strace $0x90000048  }
0xbd: {  	_ =	sfence  }
0xbe: {  	s30 =	sld [smem:$0x0];
	_ =	sdelay $0x2  }
0xbf: {  	s31 =	sshll.u32 s1, $0xD;
	s1 =	sshrl.u32 s1, $0x2  }
0xc0: {  	s3 =	sand.u32 $0x4000, s31;
	s1 =	sadd.s32 s1, s30  }
0xc1: {  	s0 =	sor.u32 s3, s0;
	s1 =	sshll.u32 s1, $0x11  }
0xc2: {  	s0 =	sor.u32 s1, s0  }
0xc3: {  	s0 =	sadd.s32 $0x8F2B, s0  }
0xc4: {  	[sflag:s0] =	ssyncadd.remote.s32 $0x1  }
0xc5: {  	_ =	sfence.sel $0xFFFF  }
0xc6: {  	[dreg:$0x0] =	wrdreg $0xFFFFFFFF;
	(pc) =	sbr.abs _section_cstart, $3  }
0xc7: {  	[dreg:$0x1] =	wrdreg $0xFFFFFFFF  }
0xc8: {  	_ =	task.clear_ibuf [dreg:s8], $0x2FFFF;
	_ =	strace $0x9FFFFFFF  }
0xc9: {  	(tm) =	ssettm $0x7FFFFFFF  }
tec
execute0_lowered:
.L_overlay_start_1:
0x0: {  	(tag) =	ssettag $0x1  }
0x1: {  	s0 =	srdreg.scid  }
0x2: {  	s8 =	sand.u32 $0x1, s0;
	s0 =	stileid.u32  }
0x3: {  	s4 =	sor.u32 s0, s8  }
0x4: {  	p0 =	sne.s32 s4, $0x0  }
.Ltmp0:
0x5: {  	_ = 	snop;
	(pc) =	sbr.rel @p0 .LBB2_4-.Ltmp0, $4  }
0x6: {  	s2 =	rddreg [dreg:$0x0]  }
0x7: {  	s6 =	rddreg [dreg:$0x1]  }
0x8: {  	s3 =	rddreg [dreg:$0x2]  }
0x9: {  	s1 =	rddreg [dreg:$0x3];
	_ =	strace $0x80000047  }
0xa: {  	s5 =	simm.s32 $0x0;
	s4 =	simm.s32 $0x1  }
0xb: {  	[tilespmem:s5], [sflag:$0x1] =	stream.linear.gather [hbm4b:s2+s5], $0x4, $0x38;
	[tilespmem:$0x180] =	vst v63  }
0xc: {  	_ =	swait.ge [sflag:s4], $0x4  }
0xd: {  	[sflag:s4] =	ssyncset.done $0x0  }
0xe: {  	s6 =	sadd.s32 $0x800, s6;
	s7 =	simm.s32 $0x80;
	[sflag:s4] =	ssyncadd.s32 $0xFFFFFFFC  }
0xf: {  	[tilespmem:s7], [sflag:$0x1] =	stream.linear.gather [hbm4b:s6+s5], $0xC, $0x38;
	[tilespmem:$0x180] =	vst v63  }
0x10: {  	_ =	swait.ge [sflag:s4], $0xC  }
0x11: {  	[sflag:s4] =	ssyncset.done $0x0  }
0x12: {  	[sflag:s4] =	ssyncadd.s32 $0xFFFFFFF4  }
0x13: {  	v4 =	vld [tilespmem:$0x80]  }
0x14: {  	v0 =	vlaneseq.u32  }
0x15: {  	v0 =	vand.u32 $0x3, v0  }
0x16: {  	v1 =	vmul.u32 $0x3, v0;
	v5 =	vld [tilespmem:$0x0];
	_ =	sdelay $0x1  }
0x17: {  	v2 =	vadd.s32 $0x1, v1;
	v3 =	vadd.s32 $0x2, v1;
	v6 =	vperm.xlane v4, v1  }
0x18: {  	v7 =	vperm.xlane v4, v2;
	v8 =	vperm.xlane v4, v3  }
0x19: {  	v4 =	vimm.s32 $0x2  }
0x1a: {  	v5 =	vperm.xlane v5, v0;
	vm1 =	vge.f32 v6, v8;
	vm2 =	vge.f32 v7, v8  }
0x1b: {  	s8 =	ssub.s32 $0x2, s8;
	vm0 =	vge.f32 v6, v7;
	v6 =	vsel vm1, $0x0, v4;
	v7 =	vsel vm2, $0x1, v4  }
0x1c: {  	s9 =	sshrl.u32 s8, $0x1;
	v6 =	vsel vm0, v6, v7  }
0x1d: {  	s9 =	ssub.s32 s8, s9;
	v5 =	vadd.s32 v6, v5  }
0x1e: {  	p0 =	sne.s32 s9, $0x1;
	v5 =	vadd.s32 $0xFFFFFFFF, v5  }
.Ltmp1:
0x1f: {  	vm15 =	vgt.s32 v5, $0x0;
	(pc) =	sbr.rel @!p0 .LBB2_3-.Ltmp1, $4  }
0x20: {  	v5 =	vnsel vm15, $0x0, v5  }
0x21: {  	s8 =	simm.s32 $0x100;
	[tilespmem:$0x100] =	vst v5  }
0x22: {  	[hbm4b:s3+s5] =	stream.linear.scatter [tilespmem:s8], [sflag:$0x1], $0x4, $0x38;
	[tilespmem:$0x180] =	vst v63  }
0x23: {  	s9 =	sadd.s32 $0xFFFFFFFF, s9;
	_ =	swait.ge [sflag:s4], $0x4  }
.LBB2_2:
0x24: {  	p0 =	sne.s32 s9, $0x1;
	s9 =	sadd.s32 $0xFFFFFFFF, s9;
	[sflag:s4] =	ssyncset.done $0x0  }
0x25: {  	[sflag:s4] =	ssyncadd.s32 $0xFFFFFFFC  }
0x26: {  	[tilespmem:s5], [sflag:$0x1] =	stream.linear.gather [hbm4b:s2+s5], $0x4, $0x38;
	[tilespmem:$0x180] =	vst v63  }
0x27: {  	_ =	swait.ge [sflag:s4], $0x4  }
0x28: {  	[sflag:s4] =	ssyncset.done $0x0  }
0x29: {  	[sflag:s4] =	ssyncadd.s32 $0xFFFFFFFC  }
0x2a: {  	[tilespmem:s7], [sflag:$0x1] =	stream.linear.gather [hbm4b:s6+s5], $0xC, $0x38;
	[tilespmem:$0x180] =	vst v63  }
0x2b: {  	_ =	swait.ge [sflag:s4], $0xC  }
0x2c: {  	[sflag:s4] =	ssyncset.done $0x0  }
0x2d: {  	[sflag:s4] =	ssyncadd.s32 $0xFFFFFFF4  }
0x2e: {  	v5 =	vld [tilespmem:$0x80]  }
0x2f: {  	v6 =	vld [tilespmem:$0x0];
	_ =	sdelay $0x3  }
0x30: {  	v7 =	vperm.xlane v5, v1;
	v8 =	vperm.xlane v5, v2  }
0x31: {  	v5 =	vperm.xlane v5, v3  }
0x32: {  	vm0 =	vge.f32 v7, v8  }
0x33: {  	v6 =	vperm.xlane v6, v0;
	vm1 =	vge.f32 v7, v5;
	vm2 =	vge.f32 v8, v5  }
0x34: {  	v5 =	vsel vm1, $0x0, v4;
	v7 =	vsel vm2, $0x1, v4  }
0x35: {  	v5 =	vsel vm0, v5, v7  }
0x36: {  	v5 =	vadd.s32 v5, v6  }
0x37: {  	v5 =	vadd.s32 $0xFFFFFFFF, v5  }
.Ltmp2:
0x38: {  	vm0 =	vgt.s32 v5, $0x0;
	(pc) =	sbr.rel @p0 .LBB2_2-.Ltmp2, $4  }
0x39: {  	v5 =	vnsel vm0, $0x0, v5  }
0x3a: {  	[tilespmem:$0x100] =	vst v5  }
0x3b: {  	[hbm4b:s3+s5] =	stream.linear.scatter [tilespmem:s8], [sflag:$0x1], $0x4, $0x38;
	[tilespmem:$0x180] =	vst v63  }
0x3c: {  	_ =	swait.ge [sflag:s4], $0x4  }
.LBB2_3:
0x3d: {  	[sflag:s4] =	ssyncset.done $0x0  }
0x3e: {  	[sflag:s4] =	ssyncadd.s32 $0xFFFFFFFC  }
.LBB2_4:
0x3f: {  	_ =	sfence.sel $0x180000  }
0x40: {  	[bflag:$0x0] =	sbarrier.arrive $0xFFFF  }
0x41: {  	p0 =	sne.s32 s0, $0x0;
	_ =	strace $0x90000047  }
0x42: {  	s0 =	sadd.s32 @!p0 $0x100000, s1;
	[bflag:$0x2] =	sbarrier.arrive $0xFFFF  }
0x43: {  	[sflag:s0] =	ssyncadd.tile.s32 @!p0 $0x1;
	_ =	shalt  }
.Lfunc_end2:
_tile_overlayer_lowered:
.L_overlay_start_2:
0x44: {  	(tag) =	ssettag $0x2  }
0x45: {  	s0 =	rddreg [dreg:$0x0];
	s2 =	stileid.u32  }
0x46: {  	s1 =	rddreg [dreg:$0x1];
	p0 =	sne.s32 s2, $0x0  }
0x47: {  	s3 =	rddreg [dreg:$0x2];
	[bflag:$0x3] =	sbarrier.arrive $0xFFFF;
	s2 =	simm.s32 @!p0 $0x1C01  }
0x48: {  	[timem:s3], [sflag:s2] =	dma.local @!p0 [hbm:s0], s1  }
0x49: {  	s0 =	simm.s32 @!p0 $0x1  }
0x4a: {  	_ =	swait.ge @!p0 [sflag:s0], s1  }
0x4b: {  	s1 =	ssub.s32 @!p0 $0x0, s1;
	[sflag:s0] =	ssyncset.done @!p0 $0x0  }
0x4c: {  	[sflag:s0] =	ssyncadd.s32 @!p0 s1  }
0x4d: {  	[bflag:$0x3] =	sbarrier.arrive $0xFFFF  }
0x4e: {  	_ =	shalt  }

</sc_bundles>
